<compile_context>
chip_gen: v7x
topology: tpu7x:2x2x1
jax: 0.10.2.dev20260603
libtpu: 0.0.44.dev20260713+nightly
codegen_flags: <defaults>
</compile_context>

<pallas_src>
import functools

import jax
import jax.numpy as jnp
from jax import lax
from jax.experimental import pallas as pl
from jax.experimental.pallas import tpu as pltpu
from jax.experimental.pallas import tpu_sc as plsc

N = 425984
D = 32
NC = 2
NS = 16
NW = NC * NS
B_PER_W = N // NW
CHUNK = 832
NCHUNK = B_PER_W // CHUNK
NBUF = 3


@functools.partial(
    pl.kernel,
    out_type=jax.ShapeDtypeStruct((N, D), jnp.float32),
    mesh=plsc.VectorSubcoreMesh(core_axis_name="c", subcore_axis_name="s"),
    scratch_types=[
        pltpu.VMEM((B_PER_W,), jnp.int32),
        pltpu.VMEM((B_PER_W,), jnp.int32),
        pltpu.VMEM((NBUF, CHUNK, D), jnp.float32),
        pltpu.SemaphoreType.DMA((NBUF,)),
        pltpu.SemaphoreType.DMA((NBUF,)),
        pltpu.SemaphoreType.DMA((NBUF,)),
    ],
    compiler_params=pltpu.CompilerParams(use_tc_tiling_on_sc=False),
)
def _bi_embed(kidx_hbm, vidx_hbm, keys_hbm, values_hbm, out_hbm,
              kidx_v, vidx_v, rows_v, semk, semv, semo):
    wid = lax.axis_index("s") * NC + lax.axis_index("c")
    base = pl.multiple_of(wid * B_PER_W, CHUNK)

    pltpu.sync_copy(kidx_hbm.at[pl.ds(base, B_PER_W)], kidx_v)
    pltpu.sync_copy(vidx_hbm.at[pl.ds(base, B_PER_W)], vidx_v)

    def gather_k(ci, b):
        src = keys_hbm.at[kidx_v.at[pl.ds(ci * CHUNK, CHUNK)]]
        return pltpu.make_async_copy(src, rows_v.at[b], semk.at[b])

    def gather_v_start(ci, b):
        src = values_hbm.at[vidx_v.at[pl.ds(ci * CHUNK, CHUNK)]]
        pltpu.async_copy(src, rows_v.at[b], semv.at[b], add=True)

    def gather_v_wait(ci, b):
        src = values_hbm.at[vidx_v.at[pl.ds(ci * CHUNK, CHUNK)]]
        pltpu.make_async_copy(src, rows_v.at[b], semv.at[b]).wait()

    def writeback(ci, b):
        off = pl.multiple_of(base + ci * CHUNK, CHUNK)
        return pltpu.make_async_copy(
            rows_v.at[b], out_hbm.at[pl.ds(off, CHUNK)], semo.at[b])

    def body(i, _):
        b0 = lax.rem(i, NBUF)
        j = i - 1
        k = i - 2
        b1 = lax.rem(j + NBUF, NBUF)
        b2 = lax.rem(k + NBUF, NBUF)

        @pl.when(i >= NBUF)
        def _():
            writeback(i - NBUF, b0).wait()

        @pl.when(i < NCHUNK)
        def _():
            gather_k(i, b0).start()

        @pl.when(jnp.logical_and(j >= 0, j < NCHUNK))
        def _():
            gather_k(j, b1).wait()
            gather_v_start(j, b1)

        @pl.when(jnp.logical_and(k >= 0, k < NCHUNK))
        def _():
            gather_v_wait(k, b2)
            writeback(k, b2).start()

        return 0

    lax.fori_loop(0, NCHUNK + 2, body, 0)

    writeback(NCHUNK - 1, (NCHUNK - 1) % NBUF).wait()


def kernel(data, keys_table, values_table):
    kidx = data[:, 0]
    vidx = data[:, 1]
    return _bi_embed(kidx, vidx, keys_table, values_table)

# --- scband reference (transcript-rebuilt; emitter-appended) ---
"""Pipeline reference for scband-bi-embedding-21122649161810 (READ-ONLY COPY).

The authoritative reference and input builder live on the scoring server;
editing this copy changes nothing except your own understanding.
"""

import jax, jax.numpy as jnp
import numpy as np

DIM_IN = 1000000
HIDDEN = 32
N = 425984

def setup_inputs(seed: int = 0) -> dict:
    key = jax.random.key(seed)
    k1, k2, k3 = jax.random.split(key, 3)
    data = jax.random.randint(k1, (N, 2), 0, DIM_IN, dtype=jnp.int32)
    keys_table = jax.random.normal(k2, (DIM_IN + 1, HIDDEN), dtype=jnp.float32)
    values_table = jax.random.normal(k3, (DIM_IN + 1, HIDDEN), dtype=jnp.float32)
    return {"data": data, "keys_table": keys_table, "values_table": values_table}

def reference(data, keys_table, values_table):
    x_key = data[:, 0]
    x_val = data[:, 1]
    x_key_embed = jnp.take(keys_table, x_key, axis=0)
    x_val_embed = jnp.take(values_table, x_val, axis=0)
    return x_key_embed + x_val_embed

if __name__ == "__main__":
    import jax
    _d = setup_inputs()
    print(jax.jit(kernel)(*tuple(_d.values())))

</pallas_src>

<mosaic_0001>
#map = affine_map<(d0, d1) -> (0)>
#map1 = affine_map<(d0, d1) -> (0, 0)>
module attributes {stable_mosaic.version = 14 : i64} {
  func.func @_bi_embed(%arg0: i32, %arg1: i32, %arg2: memref<425984xi32, #tpu.memory_space<hbm>>, %arg3: memref<425984xi32, #tpu.memory_space<hbm>>, %arg4: memref<1000001x32xf32, #tpu.memory_space<hbm>>, %arg5: memref<1000001x32xf32, #tpu.memory_space<hbm>>, %arg6: memref<425984x32xf32, #tpu.memory_space<hbm>>, %arg7: memref<13312xi32, #tpu.memory_space<vmem>>, %arg8: memref<13312xi32, #tpu.memory_space<vmem>>, %arg9: memref<3x832x32xf32, #tpu.memory_space<vmem>>, %arg10: memref<3x!tpu.dma_semaphore, #tpu.memory_space<semaphore_mem>>, %arg11: memref<3x!tpu.dma_semaphore, #tpu.memory_space<semaphore_mem>>, %arg12: memref<3x!tpu.dma_semaphore, #tpu.memory_space<semaphore_mem>>) attributes {dimension_semantics = [#tpu.dimension_semantics<core_parallel>, #tpu.dimension_semantics<subcore_parallel>], iteration_bounds = array<i64: 2, 16>, scalar_prefetch = 0 : i64, scratch_operands = 6 : i64, tpu.core_type = #tpu.core_type<sc_vector_subcore>, window_params = [{transform_indices = #map}, {transform_indices = #map}, {transform_indices = #map1}, {transform_indices = #map1}, {transform_indices = #map1}]} {
    %mul3A = arith.constant 2 : i32
    %mul3A_0 = arith.muli %arg1, %mul3A : i32
    %add3A = arith.addi %mul3A_0, %arg0 : i32
    %mul3A_1 = arith.constant 13312 : i32
    %mul3A_2 = arith.muli %add3A, %mul3A_1 : i32
    %multiple_of3A = tpu.assume_multiple %mul3A_2, 832 : i32
    "tpu.region"() ({
      %run_scoped3A = tpu.sem_alloc : memref<!tpu.dma_semaphore, #tpu.memory_space<semaphore_mem>>
      %dma_start3A = tpu.memref_slice %arg2[%multiple_of3A] : memref<425984xi32, #tpu.memory_space<hbm>> -> memref<13312xi32, #tpu.memory_space<hbm>>
      %dma_start3A_27 = tpu.memref_slice %arg2[%multiple_of3A] : memref<425984xi32, #tpu.memory_space<hbm>> -> memref<13312xi32, #tpu.memory_space<hbm>>
      tpu.enqueue_dma source(%dma_start3A_27 : memref<13312xi32, #tpu.memory_space<hbm>>) target(%arg7 : memref<13312xi32, #tpu.memory_space<vmem>>) target_semaphore(%run_scoped3A : memref<!tpu.dma_semaphore, #tpu.memory_space<semaphore_mem>>)
      %dma_wait3A_28 = tpu.memref_slice %arg2[%multiple_of3A] : memref<425984xi32, #tpu.memory_space<hbm>> -> memref<13312xi32, #tpu.memory_space<hbm>>
      %dma_wait3A_29 = tpu.memref_slice %arg2[%multiple_of3A] : memref<425984xi32, #tpu.memory_space<hbm>> -> memref<13312xi32, #tpu.memory_space<hbm>>
      tpu.wait_dma2 semaphore(%run_scoped3A : memref<!tpu.dma_semaphore, #tpu.memory_space<semaphore_mem>>) src(%dma_wait3A_29 : memref<13312xi32, #tpu.memory_space<hbm>>) dst(%arg7 : memref<13312xi32, #tpu.memory_space<vmem>>)
      tpu.yield
    }) : () -> ()
    "tpu.region"() ({
      %run_scoped3A = tpu.sem_alloc : memref<!tpu.dma_semaphore, #tpu.memory_space<semaphore_mem>>
      %dma_start3A = tpu.memref_slice %arg3[%multiple_of3A] : memref<425984xi32, #tpu.memory_space<hbm>> -> memref<13312xi32, #tpu.memory_space<hbm>>
      %dma_start3A_27 = tpu.memref_slice %arg3[%multiple_of3A] : memref<425984xi32, #tpu.memory_space<hbm>> -> memref<13312xi32, #tpu.memory_space<hbm>>
      tpu.enqueue_dma source(%dma_start3A_27 : memref<13312xi32, #tpu.memory_space<hbm>>) target(%arg8 : memref<13312xi32, #tpu.memory_space<vmem>>) target_semaphore(%run_scoped3A : memref<!tpu.dma_semaphore, #tpu.memory_space<semaphore_mem>>)
      %dma_wait3A_28 = tpu.memref_slice %arg3[%multiple_of3A] : memref<425984xi32, #tpu.memory_space<hbm>> -> memref<13312xi32, #tpu.memory_space<hbm>>
      %dma_wait3A_29 = tpu.memref_slice %arg3[%multiple_of3A] : memref<425984xi32, #tpu.memory_space<hbm>> -> memref<13312xi32, #tpu.memory_space<hbm>>
      tpu.wait_dma2 semaphore(%run_scoped3A : memref<!tpu.dma_semaphore, #tpu.memory_space<semaphore_mem>>) src(%dma_wait3A_29 : memref<13312xi32, #tpu.memory_space<hbm>>) dst(%arg8 : memref<13312xi32, #tpu.memory_space<vmem>>)
      tpu.yield
    }) : () -> ()
    %scan3A = arith.constant 0 : i32
    %scan3A_3 = arith.constant 0 : i32
    %scan3A_4 = arith.constant 18 : i32
    %scan3A_5 = arith.addi %scan3A_3, %scan3A_4 : i32
    %scan3A_6 = arith.constant 1 : i32
    %scan3A_7 = scf.for %scan3A_27 = %scan3A_3 to %scan3A_5 step %scan3A_6 iter_args(%scan3A_28 = %scan3A) -> (i32)  : i32 {
      %rem3A = arith.constant 3 : i32
      %rem3A_29 = arith.remsi %scan3A_27, %rem3A : i32
      %sub3A = arith.constant 1 : i32
      %sub3A_30 = arith.subi %scan3A_27, %sub3A : i32
      %sub3A_31 = arith.constant 2 : i32
      %sub3A_32 = arith.subi %scan3A_27, %sub3A_31 : i32
      %add3A_33 = arith.constant 3 : i32
      %add3A_34 = arith.addi %sub3A_30, %add3A_33 : i32
      %rem3A_35 = arith.constant 3 : i32
      %rem3A_36 = arith.remsi %add3A_34, %rem3A_35 : i32
      %add3A_37 = arith.constant 3 : i32
      %add3A_38 = arith.addi %sub3A_32, %add3A_37 : i32
      %rem3A_39 = arith.constant 3 : i32
      %rem3A_40 = arith.remsi %add3A_38, %rem3A_39 : i32
      %ge3A = arith.constant 3 : i32
      %ge3A_41 = arith.cmpi sge, %scan3A_27, %ge3A : i32
      %convert_element_type3A = arith.extui %ge3A_41 : i1 to i32
      %cond3A = arith.constant 0 : i32
      %cond3A_42 = arith.cmpi ne, %convert_element_type3A, %cond3A : i32
      scf.if %cond3A_42 {
        %sub3A_63 = arith.constant 3 : i32
        %sub3A_64 = arith.subi %scan3A_27, %sub3A_63 : i32
        %mul3A_65 = arith.constant 832 : i32
        %mul3A_66 = arith.muli %sub3A_64, %mul3A_65 : i32
        %add3A_67 = arith.addi %multiple_of3A, %mul3A_66 : i32
        %multiple_of3A_68 = tpu.assume_multiple %add3A_67, 832 : i32
        %dma_wait3A_69 = arith.constant 0 : i32
        %dma_wait3A_70 = arith.constant 0 : i32
        %dma_wait3A_71 = tpu.memref_slice %arg9[%rem3A_29, %dma_wait3A_69, %dma_wait3A_70] : memref<3x832x32xf32, #tpu.memory_space<vmem>> -> memref<1x832x32xf32, #tpu.memory_space<vmem>>
        %dma_wait3A_72 = tpu.memref_squeeze %dma_wait3A_71 : memref<1x832x32xf32, #tpu.memory_space<vmem>> -> memref<832x32xf32, #tpu.memory_space<vmem>>
        %dma_wait3A_73 = arith.constant 0 : i32
        %dma_wait3A_74 = tpu.memref_slice %arg6[%multiple_of3A_68, %dma_wait3A_73] : memref<425984x32xf32, #tpu.memory_space<hbm>> -> memref<832x32xf32, #tpu.memory_space<hbm>>
        %dma_wait3A_75 = tpu.memref_slice %arg12[%rem3A_29] : memref<3x!tpu.dma_semaphore, #tpu.memory_space<semaphore_mem>> -> memref<1x!tpu.dma_semaphore, #tpu.memory_space<semaphore_mem>>
        %dma_wait3A_76 = tpu.memref_squeeze %dma_wait3A_75 : memref<1x!tpu.dma_semaphore, #tpu.memory_space<semaphore_mem>> -> memref<!tpu.dma_semaphore, #tpu.memory_space<semaphore_mem>>
        %dma_wait3A_77 = arith.constant 0 : i32
        %dma_wait3A_78 = tpu.memref_slice %arg6[%multiple_of3A_68, %dma_wait3A_77] : memref<425984x32xf32, #tpu.memory_space<hbm>> -> memref<832x32xf32, #tpu.memory_space<hbm>>
        %dma_wait3A_79 = arith.constant 0 : i32
        %dma_wait3A_80 = arith.constant 0 : i32
        %dma_wait3A_81 = tpu.memref_slice %arg9[%rem3A_29, %dma_wait3A_79, %dma_wait3A_80] : memref<3x832x32xf32, #tpu.memory_space<vmem>> -> memref<1x832x32xf32, #tpu.memory_space<vmem>>
        %dma_wait3A_82 = tpu.memref_squeeze %dma_wait3A_81 : memref<1x832x32xf32, #tpu.memory_space<vmem>> -> memref<832x32xf32, #tpu.memory_space<vmem>>
        tpu.wait_dma2 semaphore(%dma_wait3A_76 : memref<!tpu.dma_semaphore, #tpu.memory_space<semaphore_mem>>) src(%dma_wait3A_82 : memref<832x32xf32, #tpu.memory_space<vmem>>) dst(%dma_wait3A_78 : memref<832x32xf32, #tpu.memory_space<hbm>>)
      } else {
      }
      %lt3A = arith.constant 16 : i32
      %lt3A_43 = arith.cmpi slt, %scan3A_27, %lt3A : i32
      %convert_element_type3A_44 = arith.extui %lt3A_43 : i1 to i32
      %cond3A_45 = arith.constant 0 : i32
      %cond3A_46 = arith.cmpi ne, %convert_element_type3A_44, %cond3A_45 : i32
      scf.if %cond3A_46 {
        %mul3A_63 = arith.constant 832 : i32
        %mul3A_64 = arith.muli %scan3A_27, %mul3A_63 : i32
        %dma_start3A = arith.constant 0 : i32
        %dma_start3A_65 = arith.constant 0 : i32
        %dma_start3A_66 = tpu.memref_slice %arg9[%rem3A_29, %dma_start3A, %dma_start3A_65] : memref<3x832x32xf32, #tpu.memory_space<vmem>> -> memref<1x832x32xf32, #tpu.memory_space<vmem>>
        %dma_start3A_67 = tpu.memref_squeeze %dma_start3A_66 : memref<1x832x32xf32, #tpu.memory_space<vmem>> -> memref<832x32xf32, #tpu.memory_space<vmem>>
        %dma_start3A_68 = tpu.memref_slice %arg7[%mul3A_64] : memref<13312xi32, #tpu.memory_space<vmem>> -> memref<832xi32, #tpu.memory_space<vmem>>
        %dma_start3A_69 = arith.constant 0 : i32
        %dma_start3A_70 = arith.constant 0 : i32
        %dma_start3A_71 = tpu.memref_slice %arg4[%dma_start3A_69, %dma_start3A_70] : memref<1000001x32xf32, #tpu.memory_space<hbm>> -> memref<1000001x32xf32, #tpu.memory_space<hbm>>
        %dma_start3A_72 = tpu.memref_slice %arg10[%rem3A_29] : memref<3x!tpu.dma_semaphore, #tpu.memory_space<semaphore_mem>> -> memref<1x!tpu.dma_semaphore, #tpu.memory_space<semaphore_mem>>
        %dma_start3A_73 = tpu.memref_squeeze %dma_start3A_72 : memref<1x!tpu.dma_semaphore, #tpu.memory_space<semaphore_mem>> -> memref<!tpu.dma_semaphore, #tpu.memory_space<semaphore_mem>>
        tpu.enqueue_indirect_dma source(%dma_start3A_71 : memref<1000001x32xf32, #tpu.memory_space<hbm>>) target(%dma_start3A_67 : memref<832x32xf32, #tpu.memory_space<vmem>>) offsets(%dma_start3A_68 : memref<832xi32, #tpu.memory_space<vmem>>) semaphore(%dma_start3A_73 : memref<!tpu.dma_semaphore, #tpu.memory_space<semaphore_mem>>)
      } else {
      }
      %ge3A_47 = arith.constant 0 : i32
      %ge3A_48 = arith.cmpi sge, %sub3A_30, %ge3A_47 : i32
      %lt3A_49 = arith.constant 16 : i32
      %lt3A_50 = arith.cmpi slt, %sub3A_30, %lt3A_49 : i32
      %and3A = arith.andi %ge3A_48, %lt3A_50 : i1
      %convert_element_type3A_51 = arith.extui %and3A : i1 to i32
      %cond3A_52 = arith.constant 0 : i32
      %cond3A_53 = arith.cmpi ne, %convert_element_type3A_51, %cond3A_52 : i32
      scf.if %cond3A_53 {
        %mul3A_63 = arith.constant 832 : i32
        %mul3A_64 = arith.muli %sub3A_30, %mul3A_63 : i32
        %dma_wait3A_65 = arith.constant 0 : i32
        %dma_wait3A_66 = arith.constant 0 : i32
        %dma_wait3A_67 = tpu.memref_slice %arg9[%rem3A_36, %dma_wait3A_65, %dma_wait3A_66] : memref<3x832x32xf32, #tpu.memory_space<vmem>> -> memref<1x832x32xf32, #tpu.memory_space<vmem>>
        %dma_wait3A_68 = tpu.memref_squeeze %dma_wait3A_67 : memref<1x832x32xf32, #tpu.memory_space<vmem>> -> memref<832x32xf32, #tpu.memory_space<vmem>>
        %dma_wait3A_69 = tpu.memref_slice %arg7[%mul3A_64] : memref<13312xi32, #tpu.memory_space<vmem>> -> memref<832xi32, #tpu.memory_space<vmem>>
        %dma_wait3A_70 = arith.constant 0 : i32
        %dma_wait3A_71 = arith.constant 0 : i32
        %dma_wait3A_72 = tpu.memref_slice %arg4[%dma_wait3A_70, %dma_wait3A_71] : memref<1000001x32xf32, #tpu.memory_space<hbm>> -> memref<1000001x32xf32, #tpu.memory_space<hbm>>
        %dma_wait3A_73 = tpu.memref_slice %arg10[%rem3A_36] : memref<3x!tpu.dma_semaphore, #tpu.memory_space<semaphore_mem>> -> memref<1x!tpu.dma_semaphore, #tpu.memory_space<semaphore_mem>>
        %dma_wait3A_74 = tpu.memref_squeeze %dma_wait3A_73 : memref<1x!tpu.dma_semaphore, #tpu.memory_space<semaphore_mem>> -> memref<!tpu.dma_semaphore, #tpu.memory_space<semaphore_mem>>
        tpu.wait_indirect_dma semaphore(%dma_wait3A_74 : memref<!tpu.dma_semaphore, #tpu.memory_space<semaphore_mem>>) src(%dma_wait3A_72 : memref<1000001x32xf32, #tpu.memory_space<hbm>>) dst(%dma_wait3A_68 : memref<832x32xf32, #tpu.memory_space<vmem>>)
        %mul3A_75 = arith.constant 832 : i32
        %mul3A_76 = arith.muli %sub3A_30, %mul3A_75 : i32
        %dma_start3A = arith.constant 0 : i32
        %dma_start3A_77 = arith.constant 0 : i32
        %dma_start3A_78 = tpu.memref_slice %arg9[%rem3A_36, %dma_start3A, %dma_start3A_77] : memref<3x832x32xf32, #tpu.memory_space<vmem>> -> memref<1x832x32xf32, #tpu.memory_space<vmem>>
        %dma_start3A_79 = tpu.memref_squeeze %dma_start3A_78 : memref<1x832x32xf32, #tpu.memory_space<vmem>> -> memref<832x32xf32, #tpu.memory_space<vmem>>
        %dma_start3A_80 = tpu.memref_slice %arg8[%mul3A_76] : memref<13312xi32, #tpu.memory_space<vmem>> -> memref<832xi32, #tpu.memory_space<vmem>>
        %dma_start3A_81 = arith.constant 0 : i32
        %dma_start3A_82 = arith.constant 0 : i32
        %dma_start3A_83 = tpu.memref_slice %arg5[%dma_start3A_81, %dma_start3A_82] : memref<1000001x32xf32, #tpu.memory_space<hbm>> -> memref<1000001x32xf32, #tpu.memory_space<hbm>>
        %dma_start3A_84 = tpu.memref_slice %arg11[%rem3A_36] : memref<3x!tpu.dma_semaphore, #tpu.memory_space<semaphore_mem>> -> memref<1x!tpu.dma_semaphore, #tpu.memory_space<semaphore_mem>>
        %dma_start3A_85 = tpu.memref_squeeze %dma_start3A_84 : memref<1x!tpu.dma_semaphore, #tpu.memory_space<semaphore_mem>> -> memref<!tpu.dma_semaphore, #tpu.memory_space<semaphore_mem>>
        tpu.enqueue_indirect_dma source(%dma_start3A_83 : memref<1000001x32xf32, #tpu.memory_space<hbm>>) target(%dma_start3A_79 : memref<832x32xf32, #tpu.memory_space<vmem>>) offsets(%dma_start3A_80 : memref<832xi32, #tpu.memory_space<vmem>>) semaphore(%dma_start3A_85 : memref<!tpu.dma_semaphore, #tpu.memory_space<semaphore_mem>>) {add = true}
      } else {
      }
      %ge3A_54 = arith.constant 0 : i32
      %ge3A_55 = arith.cmpi sge, %sub3A_32, %ge3A_54 : i32
      %lt3A_56 = arith.constant 16 : i32
      %lt3A_57 = arith.cmpi slt, %sub3A_32, %lt3A_56 : i32
      %and3A_58 = arith.andi %ge3A_55, %lt3A_57 : i1
      %convert_element_type3A_59 = arith.extui %and3A_58 : i1 to i32
      %cond3A_60 = arith.constant 0 : i32
      %cond3A_61 = arith.cmpi ne, %convert_element_type3A_59, %cond3A_60 : i32
      scf.if %cond3A_61 {
        %mul3A_63 = arith.constant 832 : i32
        %mul3A_64 = arith.muli %sub3A_32, %mul3A_63 : i32
        %dma_wait3A_65 = arith.constant 0 : i32
        %dma_wait3A_66 = arith.constant 0 : i32
        %dma_wait3A_67 = tpu.memref_slice %arg9[%rem3A_40, %dma_wait3A_65, %dma_wait3A_66] : memref<3x832x32xf32, #tpu.memory_space<vmem>> -> memref<1x832x32xf32, #tpu.memory_space<vmem>>
        %dma_wait3A_68 = tpu.memref_squeeze %dma_wait3A_67 : memref<1x832x32xf32, #tpu.memory_space<vmem>> -> memref<832x32xf32, #tpu.memory_space<vmem>>
        %dma_wait3A_69 = tpu.memref_slice %arg8[%mul3A_64] : memref<13312xi32, #tpu.memory_space<vmem>> -> memref<832xi32, #tpu.memory_space<vmem>>
        %dma_wait3A_70 = arith.constant 0 : i32
        %dma_wait3A_71 = arith.constant 0 : i32
        %dma_wait3A_72 = tpu.memref_slice %arg5[%dma_wait3A_70, %dma_wait3A_71] : memref<1000001x32xf32, #tpu.memory_space<hbm>> -> memref<1000001x32xf32, #tpu.memory_space<hbm>>
        %dma_wait3A_73 = tpu.memref_slice %arg11[%rem3A_40] : memref<3x!tpu.dma_semaphore, #tpu.memory_space<semaphore_mem>> -> memref<1x!tpu.dma_semaphore, #tpu.memory_space<semaphore_mem>>
        %dma_wait3A_74 = tpu.memref_squeeze %dma_wait3A_73 : memref<1x!tpu.dma_semaphore, #tpu.memory_space<semaphore_mem>> -> memref<!tpu.dma_semaphore, #tpu.memory_space<semaphore_mem>>
        tpu.wait_indirect_dma semaphore(%dma_wait3A_74 : memref<!tpu.dma_semaphore, #tpu.memory_space<semaphore_mem>>) src(%dma_wait3A_72 : memref<1000001x32xf32, #tpu.memory_space<hbm>>) dst(%dma_wait3A_68 : memref<832x32xf32, #tpu.memory_space<vmem>>)
        %mul3A_75 = arith.constant 832 : i32
        %mul3A_76 = arith.muli %sub3A_32, %mul3A_75 : i32
        %add3A_77 = arith.addi %multiple_of3A, %mul3A_76 : i32
        %multiple_of3A_78 = tpu.assume_multiple %add3A_77, 832 : i32
        %dma_start3A = arith.constant 0 : i32
        %dma_start3A_79 = arith.constant 0 : i32
        %dma_start3A_80 = tpu.memref_slice %arg9[%rem3A_40, %dma_start3A, %dma_start3A_79] : memref<3x832x32xf32, #tpu.memory_space<vmem>> -> memref<1x832x32xf32, #tpu.memory_space<vmem>>
        %dma_start3A_81 = tpu.memref_squeeze %dma_start3A_80 : memref<1x832x32xf32, #tpu.memory_space<vmem>> -> memref<832x32xf32, #tpu.memory_space<vmem>>
        %dma_start3A_82 = arith.constant 0 : i32
        %dma_start3A_83 = tpu.memref_slice %arg6[%multiple_of3A_78, %dma_start3A_82] : memref<425984x32xf32, #tpu.memory_space<hbm>> -> memref<832x32xf32, #tpu.memory_space<hbm>>
        %dma_start3A_84 = tpu.memref_slice %arg12[%rem3A_40] : memref<3x!tpu.dma_semaphore, #tpu.memory_space<semaphore_mem>> -> memref<1x!tpu.dma_semaphore, #tpu.memory_space<semaphore_mem>>
        %dma_start3A_85 = tpu.memref_squeeze %dma_start3A_84 : memref<1x!tpu.dma_semaphore, #tpu.memory_space<semaphore_mem>> -> memref<!tpu.dma_semaphore, #tpu.memory_space<semaphore_mem>>
        %dma_start3A_86 = arith.constant 0 : i32
        %dma_start3A_87 = tpu.memref_slice %arg6[%multiple_of3A_78, %dma_start3A_86] : memref<425984x32xf32, #tpu.memory_space<hbm>> -> memref<832x32xf32, #tpu.memory_space<hbm>>
        %dma_start3A_88 = arith.constant 0 : i32
        %dma_start3A_89 = arith.constant 0 : i32
        %dma_start3A_90 = tpu.memref_slice %arg9[%rem3A_40, %dma_start3A_88, %dma_start3A_89] : memref<3x832x32xf32, #tpu.memory_space<vmem>> -> memref<1x832x32xf32, #tpu.memory_space<vmem>>
        %dma_start3A_91 = tpu.memref_squeeze %dma_start3A_90 : memref<1x832x32xf32, #tpu.memory_space<vmem>> -> memref<832x32xf32, #tpu.memory_space<vmem>>
        tpu.enqueue_dma source(%dma_start3A_91 : memref<832x32xf32, #tpu.memory_space<vmem>>) target(%dma_start3A_87 : memref<832x32xf32, #tpu.memory_space<hbm>>) target_semaphore(%dma_start3A_85 : memref<!tpu.dma_semaphore, #tpu.memory_space<semaphore_mem>>)
      } else {
      }
      %scan3A_62 = arith.constant 0 : i32
      scf.yield %scan3A_62 : i32
    }
    %scan3A_8 = arith.constant 18 : i32
    %add3A_9 = arith.constant 12480 : i32
    %add3A_10 = arith.addi %multiple_of3A, %add3A_9 : i32
    %multiple_of3A_11 = tpu.assume_multiple %add3A_10, 832 : i32
    %dma_wait3A = arith.constant 0 : i32
    %dma_wait3A_12 = arith.constant 0 : i32
    %dma_wait3A_13 = arith.constant 0 : i32
    %dma_wait3A_14 = arith.constant 0 : i32
    %dma_wait3A_15 = tpu.memref_slice %arg9[%dma_wait3A, %dma_wait3A_13, %dma_wait3A_14] : memref<3x832x32xf32, #tpu.memory_space<vmem>> -> memref<1x832x32xf32, #tpu.memory_space<vmem>>
    %dma_wait3A_16 = tpu.memref_squeeze %dma_wait3A_15 : memref<1x832x32xf32, #tpu.memory_space<vmem>> -> memref<832x32xf32, #tpu.memory_space<vmem>>
    %dma_wait3A_17 = arith.constant 0 : i32
    %dma_wait3A_18 = tpu.memref_slice %arg6[%multiple_of3A_11, %dma_wait3A_17] : memref<425984x32xf32, #tpu.memory_space<hbm>> -> memref<832x32xf32, #tpu.memory_space<hbm>>
    %dma_wait3A_19 = tpu.memref_slice %arg12[%dma_wait3A_12] : memref<3x!tpu.dma_semaphore, #tpu.memory_space<semaphore_mem>> -> memref<1x!tpu.dma_semaphore, #tpu.memory_space<semaphore_mem>>
    %dma_wait3A_20 = tpu.memref_squeeze %dma_wait3A_19 : memref<1x!tpu.dma_semaphore, #tpu.memory_space<semaphore_mem>> -> memref<!tpu.dma_semaphore, #tpu.memory_space<semaphore_mem>>
    %dma_wait3A_21 = arith.constant 0 : i32
    %dma_wait3A_22 = tpu.memref_slice %arg6[%multiple_of3A_11, %dma_wait3A_21] : memref<425984x32xf32, #tpu.memory_space<hbm>> -> memref<832x32xf32, #tpu.memory_space<hbm>>
    %dma_wait3A_23 = arith.constant 0 : i32
    %dma_wait3A_24 = arith.constant 0 : i32
    %dma_wait3A_25 = tpu.memref_slice %arg9[%dma_wait3A, %dma_wait3A_23, %dma_wait3A_24] : memref<3x832x32xf32, #tpu.memory_space<vmem>> -> memref<1x832x32xf32, #tpu.memory_space<vmem>>
    %dma_wait3A_26 = tpu.memref_squeeze %dma_wait3A_25 : memref<1x832x32xf32, #tpu.memory_space<vmem>> -> memref<832x32xf32, #tpu.memory_space<vmem>>
    tpu.wait_dma2 semaphore(%dma_wait3A_20 : memref<!tpu.dma_semaphore, #tpu.memory_space<semaphore_mem>>) src(%dma_wait3A_26 : memref<832x32xf32, #tpu.memory_space<vmem>>) dst(%dma_wait3A_22 : memref<832x32xf32, #tpu.memory_space<hbm>>)
    return
  }
}

</mosaic_0001>

<sc_bundles>
// kernel: kernel.3.cloned.1.call-start
scs
__scs_entry_jumppad:
0x0: {  	(pc) =	sbr.rel $0x88, $3  }
0x1: {  	(tag) =	ssettag $0x0;
	lr =	simm.s32 $0x1  }
0x2: {  	[smem:$0x3F9E] =	sst lr;
	_ =	strace $0xD0000000  }
0x3: {  	_ = 	snop  }
0x4: {  	_ = 	snop  }
0x5: {  	_ = 	snop  }
0x6: {  	_ = 	snop  }
0x7: {  	_ = 	snop  }
__scs_overlays_trampoline_lowered:
0x8: {  	[smem:$0x3FAD] =	sst s0  }
0x9: {  	[smem:$0x3FAE] =	sst s1  }
0xa: {  	[smem:$0x3FAF] =	sst s2  }
0xb: {  	[smem:$0x3FB0] =	sst s3  }
0xc: {  	[smem:$0x3FB1] =	sst s4  }
0xd: {  	[smem:$0x3FB2] =	sst s5  }
0xe: {  	[smem:$0x3FB3] =	sst s6  }
0xf: {  	[smem:$0x3FB4] =	sst s7  }
0x10: {  	[smem:$0x3FB5] =	sst s8  }
0x11: {  	[smem:$0x3FB6] =	sst s9;
	s0 =	simm.s32 @!p0 $0x0  }
0x12: {  	s1 =	sld [smem:$0x3F9C];
	s0 =	simm.s32 @p0 $0x1  }
0x13: {  	[smem:$0x3FB7] =	sst s0;
	s0 =	simm.s32 @!p1 $0x0  }
0x14: {  	s2 =	sld [smem:$0x3F9B];
	s0 =	simm.s32 @p1 $0x1  }
0x15: {  	[smem:$0x3FB8] =	sst s0;
	s0 =	simm.s32 @!p2 $0x0  }
0x16: {  	s3 =	sld [smem:$0x3FDB];
	s0 =	simm.s32 @p2 $0x1  }
0x17: {  	s4 =	simm.s32 $0x1BF5;
	[smem:$0x3FBA] =	sst s0  }
0x18: {  	s0 =	sld [smem:$0x3F9D];
	_ =	swait.ge [sflag:s4], $0x0  }
0x19: {  	s7 =	sld [smem:$0x3F9E]  }
0x1a: {  	s8 =	sadd.s32 $0xFFFFE003, lr  }
0x1b: {  	s9 =	sadd.s32 $0xFFFFFEF7, lr;
	s5 =	simm.s32 $0xFFFFFFFF;
	p2 =	slt.u32 s8, $0xFFFFF086  }
0x1c: {  	p1 =	slt.u32 s9, $0xF7A;
	s5 =	simm.s32 @!p2 $0x0  }
0x1d: {  	s5 =	simm.s32 @p1 $0x1;
	p0 =	seq.s32 s7, s2  }
0x1e: {  	s7 =	smul.u32 @!p0 $0xF7A, s2;
	p2 =	seq.s32 @!p0 s5, $0x0  }
0x1f: {  	s9 =	smul.u32 $0xF7A, s1;
	s8 =	simm.s32 @!p0 $0x1BF5;
	p2 =	por !p2, p0  }
0x20: {  	[sflag:s8] =	ssyncset.s32 @!p0 $0xFFFFF086;
	s6 =	sadd.s32 @!p0 s3, s7;
	s7 =	simm.s32 @!p0 $0x108  }
0x21: {  	s3 =	sadd.s32 s3, s9;
	s6 =	sadd.s32 @!p0 $0x88, s6;
	s7 =	simm.s32 @p2 $0x1082  }
0x22: {  	[simem:s7], [sflag:s8] =	dma.local @!p0 [hbm:s6], $0xF7A  }
0x23: {  	s9 =	sor.u32 $0xD0000000, s2;
	s6 =	simm.s32 $0x108;
	_ =	swait.ge @!p0 [sflag:s8], $0x0  }
0x24: {  	s3 =	sadd.s32 $0x88, s3;
	s6 =	simm.s32 @!p1 $0x1082;
	[sflag:s4] =	ssyncset.s32 $0xFFFFF086  }
0x25: {  	[simem:s6], [sflag:s4] =	dma.local [hbm:s3], $0xF7A  }
0x26: {  	[smem:$0x3F9E] =	sst s1;
	(tag) =	ssettag s2;
	_ =	strace s9  }
0x27: {  	s1 =	sld [smem:$0x3FAE]  }
0x28: {  	s2 =	sld [smem:$0x3FAF]  }
0x29: {  	s4 =	sld [smem:$0x3FB1]  }
0x2a: {  	p0 =	seq.s32 s5, $0x0;
	s5 =	sld [smem:$0x3FB2]  }
0x2b: {  	s6 =	sld [smem:$0x3FB3]  }
0x2c: {  	s7 =	sld [smem:$0x3FB4]  }
0x2d: {  	s3 =	simm.s32 $0x108;
	s8 =	sld [smem:$0x3FB5]  }
0x2e: {  	s3 =	simm.s32 @!p0 $0x1082;
	s9 =	sld [smem:$0x3FB6]  }
0x2f: {  	lr =	sadd.s32 s0, s3;
	s0 =	sld [smem:$0x3FAD]  }
0x30: {  	s3 =	sld [smem:$0x3FB0]  }
0x31: {  	[smem:$0x3FB9] =	sst s10  }
0x32: {  	s10 =	sld [smem:$0x3FB7];
	_ =	sdelay $0x3  }
0x33: {  	p0 =	seq.s32 s10, $0x1;
	s10 =	sld [smem:$0x3FB9];
	_ =	sdelay $0x3  }
0x34: {  	[smem:$0x3FB9] =	sst s10  }
0x35: {  	s10 =	sld [smem:$0x3FB8];
	_ =	sdelay $0x3  }
0x36: {  	p1 =	seq.s32 s10, $0x1;
	s10 =	sld [smem:$0x3FB9];
	_ =	sdelay $0x3  }
0x37: {  	[smem:$0x3FB9] =	sst s10  }
0x38: {  	s10 =	sld [smem:$0x3FBA]  }
0x39: {  	_ = 	snop;
	(pc) =	sbr.ind lr, $3  }
0x3a: {  	_ = 	snop  }
0x3b: {  	_ = 	snop  }
0x3c: {  	p2 =	seq.s32 s10, $0x1;
	s10 =	sld [smem:$0x3FB9]  }
0x3d: {  	_ =	shalt  }
0x3e: {  	_ =	shalt  }
0x3f: {  	_ =	shalt  }
0x40: {  	_ =	shalt  }
0x41: {  	_ =	shalt  }
0x42: {  	_ =	shalt  }
0x43: {  	_ =	shalt  }
0x44: {  	_ =	shalt  }
0x45: {  	_ =	shalt  }
0x46: {  	_ =	shalt  }
0x47: {  	_ =	shalt  }
0x48: {  	_ =	shalt  }
0x49: {  	_ =	shalt  }
0x4a: {  	_ =	shalt  }
0x4b: {  	_ =	shalt  }
0x4c: {  	_ =	shalt  }
0x4d: {  	_ =	shalt  }
0x4e: {  	_ =	shalt  }
0x4f: {  	_ =	shalt  }
0x50: {  	_ =	shalt  }
0x51: {  	_ =	shalt  }
0x52: {  	_ =	shalt  }
0x53: {  	_ =	shalt  }
0x54: {  	_ =	shalt  }
0x55: {  	_ =	shalt  }
0x56: {  	_ =	shalt  }
0x57: {  	_ =	shalt  }
0x58: {  	_ =	shalt  }
0x59: {  	_ =	shalt  }
0x5a: {  	_ =	shalt  }
0x5b: {  	_ =	shalt  }
0x5c: {  	_ =	shalt  }
0x5d: {  	_ =	shalt  }
0x5e: {  	_ =	shalt  }
0x5f: {  	_ =	shalt  }
0x60: {  	_ =	shalt  }
0x61: {  	_ =	shalt  }
0x62: {  	_ =	shalt  }
0x63: {  	_ =	shalt  }
0x64: {  	_ =	shalt  }
0x65: {  	_ =	shalt  }
0x66: {  	_ =	shalt  }
0x67: {  	_ =	shalt  }
0x68: {  	_ =	shalt  }
0x69: {  	_ =	shalt  }
0x6a: {  	_ =	shalt  }
0x6b: {  	_ =	shalt  }
0x6c: {  	_ =	shalt  }
0x6d: {  	_ =	shalt  }
0x6e: {  	_ =	shalt  }
0x6f: {  	_ =	shalt  }
0x70: {  	_ =	shalt  }
0x71: {  	_ =	shalt  }
0x72: {  	_ =	shalt  }
0x73: {  	_ =	shalt  }
0x74: {  	_ =	shalt  }
0x75: {  	_ =	shalt  }
0x76: {  	_ =	shalt  }
0x77: {  	_ =	shalt  }
0x78: {  	_ =	shalt  }
0x79: {  	_ =	shalt  }
0x7a: {  	_ =	shalt  }
0x7b: {  	_ =	shalt  }
0x7c: {  	_ =	shalt  }
0x7d: {  	_ =	shalt  }
0x7e: {  	_ =	shalt  }
0x7f: {  	_ =	shalt  }
0x80: {  	_ =	shalt  }
0x81: {  	_ =	shalt  }
0x82: {  	_ =	shalt  }
0x83: {  	_ =	shalt  }
0x84: {  	_ =	shalt  }
0x85: {  	_ =	shalt  }
0x86: {  	_ =	shalt  }
0x87: {  	_ =	shalt  }
.Lfunc_end0:
.L_simem_size_0:
called_computation.1_lowered:
.L_overlay_start_0:
0x88: {  	s2 =	sld [smem:$0x3FD9]  }
0x89: {  	s3 =	sld [smem:$0x3FFE];
	_ =	sdelay $0x1  }
0x8a: {  	s1 =	srdreg.scid  }
0x8b: {  	s0 =	sand.u32 $0x1, s1  }
0x8c: {  	s17 =	sshll.u32 s0, $0xA;
	s2 =	sadd.s32 s3, s2  }
0x8d: {  	s2 =	sadd.s32 s2, s17  }
0x8e: {  	[smem:$0x3FC5] =	sst s2  }
0x8f: {  	_ = 	snop  }
0x90: {  	s2 =	sld [smem:$0x3FD0];
	(tm) =	ssettm $0x1  }
0x91: {  	s18 =	sld [smem:$0x3FFB];
	_ =	sdelay $0x3  }
0x92: {  	_ =	strace s18  }
0x93: {  	s3 =	sld [smem:$0x3FFC];
	_ =	sdelay $0x3  }
0x94: {  	_ =	strace s3  }
0x95: {  	s3 =	sld [smem:$0x3FFD];
	_ =	sdelay $0x3  }
0x96: {  	_ =	strace s3  }
0x97: {  	_ =	strace $0x8FFFFFFF  }
0x98: {  	s19 =	sld [smem:$0x3FDB];
	_ =	sdelay $0x1  }
0x99: {  	s4 =	simm.s32 $_scs_section_size  }
0x9a: {  	s5 =	simm.s32 $_size__tile_overlayer_lowered;
	s6 =	simm.s32 $_tile_overlayer_lowered  }
0x9b: {  	s22 =	simm.s32 $0x1BFF;
	s21 =	sshll.u32 s6, $0x1;
	s3 =	sadd.s32 s4, s19  }
0x9c: {  	s7 =	simm.s32 $0x0;
	s20 =	sshll.u32 s5, $0x1;
	s5 =	sadd.s32 s21, s3  }
0x9d: {  	[timem:s7], [sflag:s22] =	dma.local [hbm:s5], s20  }
0x9e: {  	_ =	swait.ge [sflag:s22], s20  }
0x9f: {  	s4 =	ssub.s32 $0x0, s20;
	[sflag:s22] =	ssyncset.done $0x0  }
0xa0: {  	[sflag:s22] =	ssyncadd.s32 s4;
	_ =	sdelay $0x1  }
0xa1: {  	s23 =	simm.s32 $0x1B8B  }
0xa2: {  	_ =	swait.ge [sflag:s23], $0x1  }
0xa3: {  	[sflag:s23] =	ssyncset.done $0x0  }
0xa4: {  	s25 =	simm.s32 $0x1B8E;
	s24 =	sld [smem:$0x3FFE];
	[sflag:s23] =	ssyncadd.s32 $0xFFFFFFFF  }
0xa5: {  	s26 =	simm.s32 $execute0_lowered;
	[smem:$0x3FD2] =	sst s25  }
0xa6: {  	s5 =	sshll.u32 s26, $0x1;
	_ =	strace $0x80000046;
	[dreg:$0x1] =	wrdreg $0xFFFFFFFF  }
0xa7: {  	s28 =	simm.s32 $_size_execute0_lowered;
	s3 =	sadd.s32 s3, s5;
	[dreg:$0x0] =	wrdreg $0x0  }
0xa8: {  	s5 =	sshll.u32 s28, $0x1;
	[dreg:$0x2] =	wrdreg s3  }
0xa9: {  	[dreg:$0x3] =	wrdreg s5  }
0xaa: {  	[dreg:$0x4] =	wrdreg $0xC0  }
0xab: {  	_ =	task [dreg:s7], $0x5FFFF  }
0xac: {  	[dreg:$0x1] =	wrdreg $0xFFFFFFFF  }
0xad: {  	[dreg:$0x0] =	wrdreg $0x60  }
0xae: {  	[dreg:$0x2] =	wrdreg s24  }
0xaf: {  	[dreg:$0x3] =	wrdreg s2  }
0xb0: {  	[dreg:$0x4] =	wrdreg $0x9  }
0xb1: {  	_ =	task.clear_ibuf [dreg:s7], $0x5FFFF;
	_ =	strace $0x90000046  }
0xb2: {  	s29 =	simm.s32 $0x9;
	_ =	strace $0x80000048  }
0xb3: {  	_ =	swait.ge [sflag:s29], $0x1  }
0xb4: {  	[sflag:s29] =	ssyncadd.s32 $0xFFFFFFFF  }
0xb5: {  	_ =	strace $0x90000048  }
0xb6: {  	_ =	sfence  }
0xb7: {  	s30 =	sld [smem:$0x0];
	_ =	sdelay $0x2  }
0xb8: {  	s31 =	sshll.u32 s1, $0xD;
	s1 =	sshrl.u32 s1, $0x2  }
0xb9: {  	s3 =	sand.u32 $0x4000, s31;
	s1 =	sadd.s32 s1, s30  }
0xba: {  	s0 =	sor.u32 s3, s0;
	s1 =	sshll.u32 s1, $0x11  }
0xbb: {  	s0 =	sor.u32 s1, s0  }
0xbc: {  	s0 =	sadd.s32 $0x8F2B, s0  }
0xbd: {  	[sflag:s0] =	ssyncadd.remote.s32 $0x1  }
0xbe: {  	_ =	sfence.sel $0xFFFF  }
0xbf: {  	[dreg:$0x0] =	wrdreg $0xFFFFFFFF;
	(pc) =	sbr.abs _section_cstart, $3  }
0xc0: {  	[dreg:$0x1] =	wrdreg $0xFFFFFFFF  }
0xc1: {  	_ =	task.clear_ibuf [dreg:s7], $0x2FFFF;
	_ =	strace $0x9FFFFFFF  }
0xc2: {  	(tm) =	ssettm $0x7FFFFFFF  }
0xc3: {  	_ =	shalt  }
tec
execute0_lowered:
.L_overlay_start_1:
0x0: {  	(tag) =	ssettag $0x1  }
0x1: {  	s1 =	srdreg.scid;
	s5 =	rddreg [dreg:$0x0]  }
0x2: {  	s0 =	stileid.u32;
	s2 =	rddreg [dreg:$0x1];
	s3 =	simm.s32 $0x0  }
0x3: {  	s11 =	simm.s32 $0x3400;
	s12 =	simm.s32 $0x340;
	s13 =	simm.s32 $0x7  }
0x4: {  	s4 =	sand.u32 $0x1, s1;
	s30 =	sshll.u32 s0, $0x1;
	s7 =	smul.u32 $0x6800, s0  }
0x5: {  	s1 =	rddreg [dreg:$0x2];
	s6 =	sor.u32 s4, s30;
	s9 =	smul.u32 $0x3400, s4  }
0x6: {  	s14 =	simm.s32 $0x0;
	[smem:$0x7FF] =	sst s3;
	s6 =	smul.u32 $0x3400, s6  }
0x7: {  	_ =	strace $0x80000047;
	s31 =	ssub.s32 $0x2, s4;
	s4 =	sadd.s32 $0xF5D000, s5  }
0x8: {  	s10 =	sshrl.u32 s31, $0x1;
	s9 =	sadd.s32 s9, s7;
	s6 =	sshrl.u32 s6, $0x3  }
0x9: {  	s10 =	ssub.s32 s31, s10;
	s9 =	sshll.u32 s9, $0x2;
	s8 =	sadd.s32 s6, s5  }
0xa: {  	s5 =	sadd.s32 $0x132DA00, s5;
	s9 =	sadd.s32 $0xFFFFE600, s9;
	s6 =	sadd.s32 $0xDA00, s8  }
0xb: {  	s7 =	sadd.s32 $0xA00, s8;
	s8 =	smax.u32 s10, $0x1;
	s10 =	simm.s32 $0xA  }
.LBB2_1:
0xc: {  	[tilespmem:s3], [sflag:$0xA] =	stream.linear.gather [hbm4b:s6+s3], $0x3400, $0x38;
	[tilespmem:$0x1A000] =	vst v63  }
0xd: {  	_ =	swait.ge [sflag:s10], $0x3400  }
0xe: {  	[sflag:s10] =	ssyncset.done $0x0  }
0xf: {  	[sflag:s10] =	ssyncadd.s32 $0xFFFFCC00  }
0x10: {  	[tilespmem:s11], [sflag:$0xA] =	stream.linear.gather [hbm4b:s7+s3], $0x3400, $0x38;
	[tilespmem:$0x1A000] =	vst v63  }
0x11: {  	_ =	swait.ge [sflag:s10], $0x3400  }
0x12: {  	s15 =	simm.s32 $0x30C0;
	s16 =	simm.s32 $0x0;
	[sflag:s10] =	ssyncset.done $0x0  }
0x13: {  	s17 =	smov.u32 s9;
	s18 =	simm.s32 $0x0;
	[sflag:s10] =	ssyncadd.s32 $0xFFFFCC00  }
.LBB2_2:
0x14: {  	s19 =	smul.u32 $0xAB, s18;
	_ =	sdelay $0x1  }
0x15: {  	s20 =	sshrl.u32 s19, $0x9  }
0x16: {  	s20 =	sand.u32 $0x7F, s20  }
0x17: {  	s20 =	smul.u32 $0x3, s20;
	_ =	sdelay $0x1  }
0x18: {  	s20 =	ssub.s32 s18, s20  }
0x19: {  	p0 =	slt.u32 s18, $0x3;
	s20 =	sand.u32 $0xFF, s20  }
0x1a: {  	s21 =	sadd.s32 @!p0 $0x7, s20  }
0x1b: {  	p1 =	sgt.u32 @!p0 s18, $0xF;
	_ =	swait.ge @!p0 [sflag:s21], $0x6800  }
0x1c: {  	p1 =	por p0, !p1;
	[sflag:s21] =	ssyncset.done @!p0 $0x0  }
0x1d: {  	[sflag:s21] =	ssyncadd.s32 @!p0 $0xFFFF9800;
	s21 =	smul.u32 @p1 $0x1A000, s20;
	_ =	sdelay $0x1  }
0x1e: {  	s29 =	sadd.s32 $0x2, s18;
	s21 =	sshrl.u32 @p1 s21, $0x2  }
0x1f: {  	s30 =	sand.u32 $0xFF, s29;
	s20 =	sadd.s32 @p1 $0x1, s20;
	s21 =	sadd.s32 @p1 $0x6800, s21  }
0x20: {  	[tilespmem:s21], [sflag:s20] =	stream.indirect.gather @p1 [hbm4b:s4+s12], $0x20, s16, s12, $0xb8;
	[tilespmem:$0x1A000] =	vst v63  }
0x21: {  	s21 =	smul.u32 $0xAB, s30;
	_ =	sdelay $0x1  }
0x22: {  	s21 =	sshrl.u32 s21, $0x9  }
0x23: {  	s19 =	sadd.s32 $0xAB, s19;
	s21 =	smul.u32 $0x3, s21  }
0x24: {  	s22 =	sadd.s32 $0xFFFFFFFF, s18;
	s19 =	sshrl.u32 s19, $0x9  }
0x25: {  	s31 =	sadd.s32 $0xFFFFFFFE, s18;
	s19 =	sand.u32 $0x7F, s19;
	s20 =	ssub.s32 s29, s21  }
0x26: {  	s19 =	smul.u32 $0x3, s19;
	p0 =	sgt.u32 s22, $0xF;
	s20 =	sand.u32 $0xFF, s20  }
0x27: {  	s18 =	sadd.s32 $0x1, s18;
	s21 =	smul.u32 @!p0 $0x1A000, s20;
	s23 =	sadd.s32 @!p0 $0x1, s20  }
0x28: {  	s19 =	ssub.s32 s18, s19;
	_ =	swait.ge @!p0 [sflag:s23], $0x6800  }
0x29: {  	s20 =	sadd.s32 @!p0 $0x4, s20;
	s21 =	sshrl.u32 @!p0 s21, $0x2;
	[sflag:s23] =	ssyncset.done @!p0 $0x0  }
0x2a: {  	s21 =	sadd.s32 @!p0 $0x6800, s21;
	[sflag:s23] =	ssyncadd.s32 @!p0 $0xFFFF9800;
	s23 =	simm.s32 @!p0 $0x340  }
0x2b: {  	[tilespmem:s21], [sflag:s20] =	stream.indirect.gather.add.f32 @!p0 [hbm:s5], $0x20, s15, s23, $0xb8;
	[tilespmem:$0x1A000] =	vst v63  }
0x2c: {  	s19 =	sand.u32 $0xFF, s19;
	p0 =	sgt.u32 s31, $0xF  }
0x2d: {  	s20 =	sadd.s32 @!p0 $0x4, s19  }
0x2e: {  	s21 =	smul.u32 @!p0 $0x1A000, s19;
	_ =	swait.ge @!p0 [sflag:s20], $0x6800  }
0x2f: {  	s19 =	sadd.s32 @!p0 $0x7, s19;
	[sflag:s20] =	ssyncset.done @!p0 $0x0  }
0x30: {  	[sflag:s20] =	ssyncadd.s32 @!p0 $0xFFFF9800;
	s20 =	sshrl.u32 @!p0 s21, $0x2;
	s21 =	sand.u32 @!p0 $0x1FFFFF00, s17  }
0x31: {  	s22 =	simm.s32 @!p0 $0x0;
	s20 =	sadd.s32 @!p0 $0x6800, s20;
	s21 =	sadd.s32 @!p0 s2, s21  }
0x32: {  	[hbm4b:s21+s22] =	stream.linear.scatter @!p0 [tilespmem:s20], [sflag:s19], $0x6800, $0x38;
	[tilespmem:$0x1A000] =	vst v63  }
0x33: {  	p0 =	sne.s32 s18, $0x12  }
.Ltmp0:
0x34: {  	_ = 	snop;
	(pc) =	sbr.rel @p0 .LBB2_2-.Ltmp0, $2  }
0x35: {  	_ =	sdelay $0x2  }
0x36: {  	s16 =	sadd.s32 $0x340, s16;
	s15 =	sadd.s32 $0x340, s15;
	s17 =	sadd.s32 $0xD00, s17  }
0x37: {  	s14 =	sadd.s32 $0x1, s14  }
0x38: {  	p0 =	sne.s32 s14, s8  }
.Ltmp1:
0x39: {  	_ = 	snop;
	(pc) =	sbr.rel @p0 .LBB2_1-.Ltmp1, $4  }
0x3a: {  	_ = 	snop  }
0x3b: {  	_ =	swait.ge [sflag:s13], $0x6800  }
0x3c: {  	[sflag:s13] =	ssyncset.done $0x0  }
0x3d: {  	[sflag:s13] =	ssyncadd.s32 $0xFFFF9800  }
0x3e: {  	_ =	sfence.sel $0x180000  }
0x3f: {  	[bflag:$0x0] =	sbarrier.arrive $0xFFFF  }
0x40: {  	p0 =	sne.s32 s0, $0x0;
	_ =	strace $0x90000047  }
0x41: {  	s0 =	sadd.s32 @!p0 $0x100000, s1;
	[bflag:$0x2] =	sbarrier.arrive $0xFFFF  }
0x42: {  	[sflag:s0] =	ssyncadd.tile.s32 @!p0 $0x1;
	_ =	shalt  }
.Lfunc_end2:
_tile_overlayer_lowered:
.L_overlay_start_2:
0x43: {  	(tag) =	ssettag $0x2  }
0x44: {  	s0 =	rddreg [dreg:$0x0];
	s2 =	stileid.u32  }
0x45: {  	s1 =	rddreg [dreg:$0x1];
	p0 =	sne.s32 s2, $0x0  }
0x46: {  	s3 =	rddreg [dreg:$0x2];
	[bflag:$0x3] =	sbarrier.arrive $0xFFFF;
	s2 =	simm.s32 @!p0 $0x1C0A  }
0x47: {  	[timem:s3], [sflag:s2] =	dma.local @!p0 [hbm:s0], s1  }
0x48: {  	s0 =	simm.s32 @!p0 $0xA  }
0x49: {  	_ =	swait.ge @!p0 [sflag:s0], s1  }
0x4a: {  	s1 =	ssub.s32 @!p0 $0x0, s1;
	[sflag:s0] =	ssyncset.done @!p0 $0x0  }
0x4b: {  	[sflag:s0] =	ssyncadd.s32 @!p0 s1  }
0x4c: {  	[bflag:$0x3] =	sbarrier.arrive $0xFFFF  }
0x4d: {  	_ =	shalt  }

// kernel: sparse-core-data-format-call.cloned.1.call-start
scs
called_computation_lowered:
.L_overlay_start_0:
0x0: {  	s2 =	sld [smem:$0x3FD9]  }
0x1: {  	s3 =	sld [smem:$0x3FFE];
	_ =	sdelay $0x1  }
0x2: {  	s1 =	srdreg.scid  }
0x3: {  	s0 =	sand.u32 $0x1, s1  }
0x4: {  	s18 =	sshll.u32 s0, $0xA;
	s2 =	sadd.s32 s3, s2  }
0x5: {  	s2 =	sadd.s32 s2, s18  }
0x6: {  	[smem:$0x3FC5] =	sst s2  }
0x7: {  	_ = 	snop  }
0x8: {  	s2 =	sld [smem:$0x3FD0];
	(tm) =	ssettm $0x1  }
0x9: {  	s19 =	sld [smem:$0x3FFB];
	_ =	sdelay $0x3  }
0xa: {  	_ =	strace s19  }
0xb: {  	s3 =	sld [smem:$0x3FFC];
	_ =	sdelay $0x3  }
0xc: {  	_ =	strace s3  }
0xd: {  	s3 =	sld [smem:$0x3FFD];
	_ =	sdelay $0x3  }
0xe: {  	_ =	strace s3  }
0xf: {  	_ =	strace $0x8FFFFFFF  }
0x10: {  	s20 =	sld [smem:$0x3FDB];
	_ =	sdelay $0x1  }
0x11: {  	s4 =	simm.s32 $_scs_section_size  }
0x12: {  	s5 =	simm.s32 $_size__tile_overlayer_lowered;
	s6 =	simm.s32 $_tile_overlayer_lowered  }
0x13: {  	s23 =	simm.s32 $0x1BFF;
	s22 =	sshll.u32 s6, $0x1;
	s3 =	sadd.s32 s4, s20  }
0x14: {  	s7 =	simm.s32 $0x0;
	s21 =	sshll.u32 s5, $0x1;
	s5 =	sadd.s32 s22, s3  }
0x15: {  	[timem:s7], [sflag:s23] =	dma.local [hbm:s5], s21  }
0x16: {  	_ =	swait.ge [sflag:s23], s21  }
0x17: {  	s4 =	ssub.s32 $0x0, s21;
	[sflag:s23] =	ssyncset.done $0x0  }
0x18: {  	[sflag:s23] =	ssyncadd.s32 s4;
	_ =	sdelay $0x1  }
0x19: {  	s24 =	simm.s32 $0x1B8B  }
0x1a: {  	_ =	swait.ge [sflag:s24], $0x1  }
0x1b: {  	[sflag:s24] =	ssyncset.done $0x0  }
0x1c: {  	s26 =	simm.s32 $0x1B8E;
	s25 =	sld [smem:$0x3FFE];
	[sflag:s24] =	ssyncadd.s32 $0xFFFFFFFF  }
0x1d: {  	s27 =	simm.s32 $execute0_lowered;
	[smem:$0x3FD2] =	sst s26  }
0x1e: {  	s5 =	sshll.u32 s27, $0x1;
	_ =	strace $0x80000049;
	[dreg:$0x1] =	wrdreg $0xFFFFFFFF  }
0x1f: {  	s28 =	simm.s32 $_size_execute0_lowered;
	s3 =	sadd.s32 s3, s5;
	[dreg:$0x0] =	wrdreg $0x0  }
0x20: {  	s5 =	sshll.u32 s28, $0x1;
	[dreg:$0x2] =	wrdreg s3  }
0x21: {  	[dreg:$0x3] =	wrdreg s5  }
0x22: {  	[dreg:$0x4] =	wrdreg $0xC0  }
0x23: {  	_ =	task [dreg:s7], $0x5FFFF  }
0x24: {  	[dreg:$0x1] =	wrdreg $0xFFFFFFFF  }
0x25: {  	[dreg:$0x0] =	wrdreg $0x60  }
0x26: {  	[dreg:$0x2] =	wrdreg s25  }
0x27: {  	[dreg:$0x3] =	wrdreg s2  }
0x28: {  	[dreg:$0x4] =	wrdreg $0x9  }
0x29: {  	_ =	task.clear_ibuf [dreg:s7], $0x5FFFF;
	_ =	strace $0x90000049  }
0x2a: {  	s29 =	simm.s32 $0x9;
	_ =	strace $0x8000004B  }
0x2b: {  	_ =	swait.ge [sflag:s29], $0x1  }
0x2c: {  	[sflag:s29] =	ssyncadd.s32 $0xFFFFFFFF  }
0x2d: {  	_ =	strace $0x9000004B  }
0x2e: {  	_ =	sfence  }
0x2f: {  	s30 =	sld [smem:$0x0];
	_ =	sdelay $0x2  }
0x30: {  	s31 =	sshll.u32 s1, $0xD;
	s1 =	sshrl.u32 s1, $0x2  }
0x31: {  	s3 =	sand.u32 $0x4000, s31;
	s1 =	sadd.s32 s1, s30  }
0x32: {  	s0 =	sor.u32 s3, s0;
	s1 =	sshll.u32 s1, $0x11  }
0x33: {  	s0 =	sor.u32 s1, s0  }
0x34: {  	s0 =	sadd.s32 $0x8F2B, s0  }
0x35: {  	[sflag:s0] =	ssyncadd.remote.s32 $0x1  }
0x36: {  	_ =	sfence.sel $0xFFFF  }
0x37: {  	[dreg:$0x0] =	wrdreg $0xFFFFFFFF;
	(pc) =	sbr.abs _section_cstart, $3  }
0x38: {  	[dreg:$0x1] =	wrdreg $0xFFFFFFFF  }
0x39: {  	_ =	task.clear_ibuf [dreg:s7], $0x2FFFF;
	_ =	strace $0x9FFFFFFF  }
0x3a: {  	(tm) =	ssettm $0x7FFFFFFF  }
0x3b: {  	_ =	shalt  }
tec
execute0_lowered:
.L_overlay_start_1:
0x0: {  	(tag) =	ssettag $0x1  }
0x1: {  	s0 =	srdreg.scid  }
0x2: {  	s1 =	sshll.u32 s0, $0x4  }
0x3: {  	s4 =	rddreg [dreg:$0x0];
	s0 =	stileid.u32;
	s1 =	sand.u32 $0x10, s1  }
0x4: {  	s2 =	rddreg [dreg:$0x1];
	s7 =	simm.s32 $0x1;
	s1 =	sor.u32 s0, s1  }
0x5: {  	s8 =	simm.s32 $0x2;
	s11 =	simm.s32 $0x0;
	s3 =	sshll.u32 s1, $0x7  }
0x6: {  	s10 =	simm.s32 $0x0;
	s4 =	sadd.s32 $0xA00, s4;
	s6 =	ssub.s32 $0x68000, s3  }
.Ltmp0:
0x7: {  	s1 =	rddreg [dreg:$0x2];
	s5 =	sand.u32 $0xF80, s6;
	(pc) =	sbr.rel .LBB1_1-.Ltmp0, $4  }
0x8: {  	_ =	strace $0x8000004A;
	s9 =	smov.u32 s3;
	p0 =	sne.s32 s5, $0x0  }
0x9: {  	s6 =	sshrl.u32 s6, $0xC;
	s5 =	simm.s32 $0x1;
	s7 =	simm.s32 @!p0 $0x0  }
0xa: {  	[sflag:s5] =	ssyncpa.u1 $0x0;
	p0 =	por $0x0, $0x0;
	s6 =	sadd.s32 s7, s6  }
0xb: {  	[sflag:s8] =	ssyncpa.u1 $0x0;
	s8 =	simm.s32 $0x340000;
	s7 =	sadd.s32 $0x1, s6  }
.LBB1_4:
0xc: {  	s14 =	sshll.u32 s11, $0x3  }
0xd: {  	s30 =	sand.u32 $0x7F, s11;
	s15 =	sand.u32 $0xFFFFFC00, s14  }
0xe: {  	s11 =	sor.u32 s30, s15  }
0xf: {  	s15 =	smulhi.u32 $0x4EC4EC4F, s11  }
0x10: {  	s14 =	smulhi.u32 $0x4EC4EC4F, s14  }
0x11: {  	s15 =	sshrl.u32 s15, $0x11  }
0x12: {  	s14 =	sshrl.u32 s14, $0x11;
	s15 =	smul.u32 $0x68000, s15  }
0x13: {  	s14 =	sand.u32 $0x1F, s14  }
0x14: {  	s14 =	smul.u32 $0xD000, s14;
	s11 =	ssub.s32 s11, s15  }
0x15: {  	s15 =	sand.u32 $0x7, s11  }
0x16: {  	s14 =	sadd.s32 s2, s14;
	s11 =	sshrl.u32 s11, $0x3;
	s15 =	sshll.u32 s15, $0x12  }
0x17: {  	[tilespmem:s13+$0x0 ss:$0x81] =	vst.msk $0xffff, v0;
	s11 =	sadd.s32 s11, s14;
	s31 =	sor.u32 $0x400, s15  }
0x18: {  	[hbm4b:s11+s31] =	stream.strided.scatter [tilespmem:s12], [sflag:$0x2], $0x1000, s8, s31, $0x20;
	[tilespmem:$0x4040] =	vst v63  }
.LBB1_5:
0x19: {  	s13 =	sadd.s32 $0x1000, s9  }
0x1a: {  	p2 =	sgt.s32 s13, $0x67FFF  }
0x1b: {  	s13 =	smov.u32 @p2 s3;
	p2 =	sne.s32 s10, s7  }
.Ltmp1:
0x1c: {  	p1 =	slt.u32 s10, $0x2;
	(pc) =	sbr.rel @!p2 .LBB1_6-.Ltmp1, $4  }
0x1d: {  	s12 =	simm.s32 @!p1 $0x2  }
0x1e: {  	s14 =	sadd.s32 $0x1, s10;
	_ =	swait.ge @!p1 [sflag:s12], $0x1000  }
0x1f: {  	s11 =	smov.u32 s9;
	p0 =	por !p0, !p0;
	[sflag:s12] =	ssyncset.done @!p1 $0x0  }
0x20: {  	s10 =	smov.u32 s14;
	s9 =	smov.u32 s13;
	[sflag:s12] =	ssyncadd.s32 @!p1 $0xFFFFF000  }
.LBB1_1:
0x21: {  	p1 =	sge.u32 s10, s6  }
0x22: {  	s12 =	sand.u32 @!p1 $0x1FFFFFF, s9  }
0x23: {  	s13 =	smulhi.u32 @!p1 $0x2762763, s12;
	_ =	sdelay $0x1  }
0x24: {  	s13 =	sshrl.u32 @!p1 s13, $0xC  }
0x25: {  	s13 =	smul.u32 @!p1 $0x68000, s13;
	_ =	sdelay $0x1  }
0x26: {  	s31 =	sadd.s32 $0xFFFFFFFF, s10;
	s14 =	sxor.u32 @!p1 $0xFFFFFFFF, s10;
	s12 =	ssub.s32 @!p1 s12, s13  }
0x27: {  	s15 =	simm.s32 @!p1 $0x80;
	s14 =	sshll.u32 @!p1 s14, $0xC;
	s12 =	sshll.u32 @!p1 s12, $0x4  }
0x28: {  	s13 =	sand.u32 @!p1 $0x1000, s14;
	s14 =	simm.s32 @!p1 $0x20;
	s12 =	sadd.s32 @!p1 s4, s12  }
0x29: {  	[tilespmem:s13], [sflag:$0x1] =	stream.strided.gather @!p1 [hbm4b:s12+s14], $0x1000, s15, s14, $0x38;
	[tilespmem:$0x4040] =	vst v63  }
0x2a: {  	p1 =	sge.u32 s31, s6  }
.Ltmp2:
0x2b: {  	_ = 	snop;
	(pc) =	sbr.rel @p1 .LBB1_5-.Ltmp2, $1  }
0x2c: {  	_ =	sdelay $0x3  }
0x2d: {  	s12 =	simm.s32 $0x1  }
0x2e: {  	_ =	swait.ge [sflag:s5], $0x1000;
	s12 =	simm.s32 @!p0 $0x0  }
0x2f: {  	[sflag:s5] =	ssyncset.done $0x0;
	s13 =	sshll.u32 s12, $0xC  }
0x30: {  	[sflag:s5] =	ssyncadd.s32 $0xFFFFF000;
	s16 =	sor.u32 $0x10, s13  }
0x31: {  	s12 =	smul.u32 $0x4080, s12;
	v1 =	vld [tilespmem:s16+$0x0]  }
0x32: {  	s30 =	sand.u32 $0x1, s10;
	v0 =	vld [tilespmem:s16+$0xFFFFFFF0]  }
0x33: {  	s13 =	smul.u32 $0x4080, s30;
	s12 =	sshrl.u32 s12, $0x2  }
0x34: {  	s14 =	sor.u32 $0x2000, s12  }
0x35: {  	s31 =	sshrl.u32 s13, $0x2;
	s13 =	sadd.s32 $0x0, s14  }
0x36: {  	s15 =	simm.s32 $0x4;
	s16 =	sadd.s32 $0x20, s16;
	s12 =	sor.u32 $0x2000, s31;
	[tilespmem:s13+$0x810 ss:$0x81] =	vst.msk $0xffff, v1  }
.LBB1_3:
0x37: {  	v1 =	vld [tilespmem:s16+$0x0];
	p1 =	sne.s32 s15, $0x1FC;
	[tilespmem:s13+$0x0 ss:$0x81] =	vst.msk $0xffff, v0;
	s13 =	smov.u32 s15;
	s15 =	sadd.s32 $0x4, s15  }
.Ltmp3:
0x38: {  	v0 =	vld [tilespmem:s16+$0xFFFFFFF0];
	(pc) =	sbr.rel @p1 .LBB1_3-.Ltmp3, $4  }
0x39: {  	_ = 	snop  }
0x3a: {  	s13 =	sshra.s32 s13, $0x2  }
0x3b: {  	s13 =	sadd.s32 s13, s14  }
0x3c: {  	s16 =	sadd.s32 $0x20, s16;
	[tilespmem:s13+$0x810 ss:$0x81] =	vst.msk $0xffff, v1  }
.Ltmp4:
0x3d: {  	_ = 	snop;
	(pc) =	sbr.rel .LBB1_4-.Ltmp4, $1  }
0x3e: {  	_ =	sdelay $0x3  }
.LBB1_6:
0x3f: {  	_ =	sfence.sel $0x180000  }
0x40: {  	s2 =	simm.s32 $0x1;
	[bflag:$0x0] =	sbarrier.arrive $0xFFFF  }
0x41: {  	s31 =	simm.s32 $0x2;
	[sflag:s2] =	ssyncpa.u1 $0x1  }
0x42: {  	[sflag:s31] =	ssyncpa.u1 $0x1  }
0x43: {  	p0 =	sne.s32 s0, $0x0;
	_ =	strace $0x9000004A  }
0x44: {  	s0 =	sadd.s32 @!p0 $0x100000, s1;
	[bflag:$0x2] =	sbarrier.arrive $0xFFFF  }
0x45: {  	[sflag:s0] =	ssyncadd.tile.s32 @!p0 $0x1;
	_ =	shalt  }
.Lfunc_end1:
_tile_overlayer_lowered:
.L_overlay_start_2:
0x46: {  	(tag) =	ssettag $0x2  }
0x47: {  	s0 =	rddreg [dreg:$0x0];
	s2 =	stileid.u32  }
0x48: {  	s1 =	rddreg [dreg:$0x1];
	p0 =	sne.s32 s2, $0x0  }
0x49: {  	s3 =	rddreg [dreg:$0x2];
	[bflag:$0x3] =	sbarrier.arrive $0xFFFF;
	s2 =	simm.s32 @!p0 $0x1C01  }
0x4a: {  	[timem:s3], [sflag:s2] =	dma.local @!p0 [hbm:s0], s1  }
0x4b: {  	s0 =	simm.s32 @!p0 $0x1  }
0x4c: {  	_ =	swait.ge @!p0 [sflag:s0], s1  }
0x4d: {  	s1 =	ssub.s32 @!p0 $0x0, s1;
	[sflag:s0] =	ssyncset.done @!p0 $0x0  }
0x4e: {  	[sflag:s0] =	ssyncadd.s32 @!p0 s1  }
0x4f: {  	[bflag:$0x3] =	sbarrier.arrive $0xFFFF  }
0x50: {  	_ =	shalt  }

</sc_bundles>
